<compile_context>
chip_gen: v7x
topology: tpu7x:2x2x1
jax: 0.10.2.dev20260603
libtpu: 0.0.44.dev20260713+nightly
codegen_flags: <defaults>
</compile_context>

<pallas_src>
import functools

import jax
import jax.numpy as jnp
from jax import lax
from jax.experimental import pallas as pl
from jax.experimental.pallas import tpu as pltpu
from jax.experimental.pallas import tpu_sc as plsc

EMBED = 384
B_TOTAL = 16 * 16384
NC, NS, L = 2, 16, 16
NW = NC * NS
B_PER_W = B_TOTAL // NW
CHUNK = 128
N_CHUNKS = B_PER_W // CHUNK
POS_CHUNK = 4096
N_POS_CHUNKS = B_PER_W // POS_CHUNK


@jax.jit
def _sc_gather(pos2d, pe):
    mesh = plsc.VectorSubcoreMesh(core_axis_name="c", subcore_axis_name="s")

    @functools.partial(
        pl.kernel,
        mesh=mesh,
        compiler_params=pltpu.CompilerParams(use_tc_tiling_on_sc=False),
        out_type=jax.ShapeDtypeStruct((B_TOTAL, EMBED), jnp.float32),
        scratch_types=[
            pltpu.VMEM((3, POS_CHUNK), jnp.int32),
            pltpu.VMEM((N_CHUNKS, CHUNK), jnp.int32),
            pltpu.VMEM((2, CHUNK, EMBED), jnp.float32),
            pltpu.SemaphoreType.DMA,
            pltpu.SemaphoreType.DMA,
        ],
    )
    def k(pos_hbm, pe_hbm, out_hbm, pos_v, idx_v, rows_v, gsem, ssem):
        wid = lax.axis_index("s") * NC + lax.axis_index("c")
        base = wid * B_PER_W
        vecs_per_chunk = CHUNK // L

        def pos_phase(t, carry):
            row0 = base + t * POS_CHUNK
            for comp in range(3):
                pltpu.sync_copy(
                    pos_hbm.at[comp, pl.ds(row0, POS_CHUNK)],
                    pos_v.at[comp])

            def idx_body(jj, c2):
                j = t * (POS_CHUNK // L) + jj
                sl = pl.ds(jj * L, L)
                d = pos_v[0, sl]
                h = pos_v[1, sl]
                w = pos_v[2, sl]
                lin = d * 1024 + h * 32 + w
                idx_v[j // vecs_per_chunk,
                      pl.ds((j % vecs_per_chunk) * L, L)] = lin
                return c2

            return lax.fori_loop(0, POS_CHUNK // L, idx_body, carry)

        lax.fori_loop(0, N_POS_CHUNKS, pos_phase, 0)

        def gather(c, p):
            pltpu.async_copy(pe_hbm.at[idx_v.at[c]], rows_v.at[p], gsem).wait()

        def start_store(c, p):
            pltpu.async_copy(
                rows_v.at[p], out_hbm.at[pl.ds(base + c * CHUNK, CHUNK)], ssem)

        def wait_one_store():
            pltpu.make_async_copy(
                rows_v.at[0], out_hbm.at[pl.ds(base, CHUNK)], ssem).wait()

        for c in range(2):
            gather(c, c)
            start_store(c, c)

        def gather_body(c, carry):
            p = lax.rem(c, 2)
            wait_one_store()
            gather(c, p)
            start_store(c, p)
            return carry

        lax.fori_loop(2, N_CHUNKS, gather_body, 0)
        wait_one_store()
        wait_one_store()

    return k(pos2d, pe)


def kernel(positions, pe):
    pos_t = positions.reshape(-1, 3).astype(jnp.int32).T
    out = _sc_gather(pos_t, pe)
    return out.reshape(positions.shape[0], positions.shape[1], EMBED)

# --- scband reference (transcript-rebuilt; emitter-appended) ---
"""Pipeline reference for scband-sinusoidal-positional-embedding3-d-41197326303853 (READ-ONLY COPY).

The authoritative reference and input builder live on the scoring server;
editing this copy changes nothing except your own understanding.
"""

import jax, jax.numpy as jnp
import numpy as np
import math

EMBED_DIM = 384
MAX_LEN = (32, 32, 32)


def _create_pe(max_len, embed_dim):
    dim_per_axis = embed_dim // 3
    div_term = jnp.exp(jnp.arange(0, dim_per_axis, 2).astype(jnp.float32) * (-math.log(10000.0) / dim_per_axis))

    def axis_pe(L):
        pos = jnp.arange(L).astype(jnp.float32)[:, None]
        pe = jnp.zeros((L, dim_per_axis), dtype=jnp.float32)
        pe = pe.at[:, 0::2].set(jnp.sin(pos * div_term))
        pe = pe.at[:, 1::2].set(jnp.cos(pos * div_term))
        return pe

    D, H, W = max_len
    pe_d = axis_pe(D)
    pe_h = axis_pe(H)
    pe_w = axis_pe(W)
    pe_d_exp = jnp.broadcast_to(pe_d[:, None, None, :], (D, H, W, dim_per_axis))
    pe_h_exp = jnp.broadcast_to(pe_h[None, :, None, :], (D, H, W, dim_per_axis))
    pe_w_exp = jnp.broadcast_to(pe_w[None, None, :, :], (D, H, W, dim_per_axis))
    pe = jnp.concatenate([pe_d_exp, pe_h_exp, pe_w_exp], axis=-1)
    pad = embed_dim - pe.shape[-1]
    if pad > 0:
        pe = jnp.pad(pe, ((0, 0), (0, 0), (0, 0), (0, pad)))
    return pe.reshape(-1, embed_dim)


def setup_inputs(seed: int = 0) -> dict:
    key = jax.random.key(seed)
    positions = jax.random.randint(key, (16, 16384, 3), 0, 32)
    pe = _create_pe(MAX_LEN, EMBED_DIM)
    return {"positions": positions, "pe": pe}


def reference(positions, pe):
    d = positions[:, :, 0]
    h = positions[:, :, 1]
    w = positions[:, :, 2]
    linear_idx = d * (MAX_LEN[1] * MAX_LEN[2]) + h * MAX_LEN[2] + w
    out = jnp.take(pe, linear_idx, axis=0)
    return out

if __name__ == "__main__":
    import jax
    _d = setup_inputs()
    print(jax.jit(kernel)(*tuple(_d.values())))

</pallas_src>

<mosaic_0001>
#map = affine_map<(d0, d1) -> (0, 0)>
module attributes {stable_mosaic.version = 14 : i64} {
  func.func @k(%arg0: i32, %arg1: i32, %arg2: memref<3x262144xi32, #tpu.memory_space<hbm>>, %arg3: memref<32768x384xf32, #tpu.memory_space<hbm>>, %arg4: memref<262144x384xf32, #tpu.memory_space<hbm>>, %arg5: memref<3x4096xi32, #tpu.memory_space<vmem>>, %arg6: memref<64x128xi32, #tpu.memory_space<vmem>>, %arg7: memref<2x128x384xf32, #tpu.memory_space<vmem>>, %arg8: memref<!tpu.dma_semaphore, #tpu.memory_space<semaphore_mem>>, %arg9: memref<!tpu.dma_semaphore, #tpu.memory_space<semaphore_mem>>) attributes {dimension_semantics = [#tpu.dimension_semantics<core_parallel>, #tpu.dimension_semantics<subcore_parallel>], iteration_bounds = array<i64: 2, 16>, scalar_prefetch = 0 : i64, scratch_operands = 5 : i64, tpu.core_type = #tpu.core_type<sc_vector_subcore>, window_params = [{transform_indices = #map}, {transform_indices = #map}, {transform_indices = #map}]} {
    %mul3A = arith.constant 2 : i32
    %mul3A_0 = arith.muli %arg1, %mul3A : i32
    %add3A = arith.addi %mul3A_0, %arg0 : i32
    %mul3A_1 = arith.constant 8192 : i32
    %mul3A_2 = arith.muli %add3A, %mul3A_1 : i32
    %scan3A = arith.constant 0 : i32
    %scan3A_3 = arith.constant 0 : i32
    %scan3A_4 = arith.constant 2 : i32
    %scan3A_5 = arith.addi %scan3A_3, %scan3A_4 : i32
    %scan3A_6 = arith.constant 1 : i32
    scf.for %scan3A_116 = %scan3A_3 to %scan3A_5 step %scan3A_6  : i32 {
      %mul3A_117 = arith.constant 4096 : i32
      %mul3A_118 = arith.muli %scan3A_116, %mul3A_117 : i32
      %add3A_119 = arith.addi %mul3A_2, %mul3A_118 : i32
      %run_scoped3A = arith.constant 0 : i32
      %run_scoped3A_120 = arith.constant 0 : i32
      "tpu.region"() ({
        %run_scoped3A_130 = tpu.sem_alloc : memref<!tpu.dma_semaphore, #tpu.memory_space<semaphore_mem>>
        %dma_start3A_131 = arith.constant 0 : i32
        %dma_start3A_132 = tpu.memref_slice %arg5[%run_scoped3A_120, %dma_start3A_131] : memref<3x4096xi32, #tpu.memory_space<vmem>> -> memref<1x4096xi32, #tpu.memory_space<vmem>>
        %dma_start3A_133 = tpu.memref_squeeze %dma_start3A_132 : memref<1x4096xi32, #tpu.memory_space<vmem>> -> memref<4096xi32, #tpu.memory_space<vmem>>
        %dma_start3A_134 = tpu.memref_slice %arg2[%run_scoped3A, %add3A_119] : memref<3x262144xi32, #tpu.memory_space<hbm>> -> memref<1x4096xi32, #tpu.memory_space<hbm>>
        %dma_start3A_135 = tpu.memref_squeeze %dma_start3A_134 : memref<1x4096xi32, #tpu.memory_space<hbm>> -> memref<4096xi32, #tpu.memory_space<hbm>>
        %dma_start3A_136 = arith.constant 0 : i32
        %dma_start3A_137 = tpu.memref_slice %arg5[%run_scoped3A_120, %dma_start3A_136] : memref<3x4096xi32, #tpu.memory_space<vmem>> -> memref<1x4096xi32, #tpu.memory_space<vmem>>
        %dma_start3A_138 = tpu.memref_squeeze %dma_start3A_137 : memref<1x4096xi32, #tpu.memory_space<vmem>> -> memref<4096xi32, #tpu.memory_space<vmem>>
        %dma_start3A_139 = tpu.memref_slice %arg2[%run_scoped3A, %add3A_119] : memref<3x262144xi32, #tpu.memory_space<hbm>> -> memref<1x4096xi32, #tpu.memory_space<hbm>>
        %dma_start3A_140 = tpu.memref_squeeze %dma_start3A_139 : memref<1x4096xi32, #tpu.memory_space<hbm>> -> memref<4096xi32, #tpu.memory_space<hbm>>
        tpu.enqueue_dma source(%dma_start3A_140 : memref<4096xi32, #tpu.memory_space<hbm>>) target(%dma_start3A_138 : memref<4096xi32, #tpu.memory_space<vmem>>) target_semaphore(%run_scoped3A_130 : memref<!tpu.dma_semaphore, #tpu.memory_space<semaphore_mem>>)
        %dma_wait3A_141 = arith.constant 0 : i32
        %dma_wait3A_142 = tpu.memref_slice %arg5[%run_scoped3A_120, %dma_wait3A_141] : memref<3x4096xi32, #tpu.memory_space<vmem>> -> memref<1x4096xi32, #tpu.memory_space<vmem>>
        %dma_wait3A_143 = tpu.memref_squeeze %dma_wait3A_142 : memref<1x4096xi32, #tpu.memory_space<vmem>> -> memref<4096xi32, #tpu.memory_space<vmem>>
        %dma_wait3A_144 = tpu.memref_slice %arg2[%run_scoped3A, %add3A_119] : memref<3x262144xi32, #tpu.memory_space<hbm>> -> memref<1x4096xi32, #tpu.memory_space<hbm>>
        %dma_wait3A_145 = tpu.memref_squeeze %dma_wait3A_144 : memref<1x4096xi32, #tpu.memory_space<hbm>> -> memref<4096xi32, #tpu.memory_space<hbm>>
        %dma_wait3A_146 = arith.constant 0 : i32
        %dma_wait3A_147 = tpu.memref_slice %arg5[%run_scoped3A_120, %dma_wait3A_146] : memref<3x4096xi32, #tpu.memory_space<vmem>> -> memref<1x4096xi32, #tpu.memory_space<vmem>>
        %dma_wait3A_148 = tpu.memref_squeeze %dma_wait3A_147 : memref<1x4096xi32, #tpu.memory_space<vmem>> -> memref<4096xi32, #tpu.memory_space<vmem>>
        %dma_wait3A_149 = tpu.memref_slice %arg2[%run_scoped3A, %add3A_119] : memref<3x262144xi32, #tpu.memory_space<hbm>> -> memref<1x4096xi32, #tpu.memory_space<hbm>>
        %dma_wait3A_150 = tpu.memref_squeeze %dma_wait3A_149 : memref<1x4096xi32, #tpu.memory_space<hbm>> -> memref<4096xi32, #tpu.memory_space<hbm>>
        tpu.wait_dma2 semaphore(%run_scoped3A_130 : memref<!tpu.dma_semaphore, #tpu.memory_space<semaphore_mem>>) src(%dma_wait3A_150 : memref<4096xi32, #tpu.memory_space<hbm>>) dst(%dma_wait3A_148 : memref<4096xi32, #tpu.memory_space<vmem>>)
        tpu.yield
      }) : () -> ()
      %run_scoped3A_121 = arith.constant 1 : i32
      %run_scoped3A_122 = arith.constant 1 : i32
      "tpu.region"() ({
        %run_scoped3A_130 = tpu.sem_alloc : memref<!tpu.dma_semaphore, #tpu.memory_space<semaphore_mem>>
        %dma_start3A_131 = arith.constant 0 : i32
        %dma_start3A_132 = tpu.memref_slice %arg5[%run_scoped3A_122, %dma_start3A_131] : memref<3x4096xi32, #tpu.memory_space<vmem>> -> memref<1x4096xi32, #tpu.memory_space<vmem>>
        %dma_start3A_133 = tpu.memref_squeeze %dma_start3A_132 : memref<1x4096xi32, #tpu.memory_space<vmem>> -> memref<4096xi32, #tpu.memory_space<vmem>>
        %dma_start3A_134 = tpu.memref_slice %arg2[%run_scoped3A_121, %add3A_119] : memref<3x262144xi32, #tpu.memory_space<hbm>> -> memref<1x4096xi32, #tpu.memory_space<hbm>>
        %dma_start3A_135 = tpu.memref_squeeze %dma_start3A_134 : memref<1x4096xi32, #tpu.memory_space<hbm>> -> memref<4096xi32, #tpu.memory_space<hbm>>
        %dma_start3A_136 = arith.constant 0 : i32
        %dma_start3A_137 = tpu.memref_slice %arg5[%run_scoped3A_122, %dma_start3A_136] : memref<3x4096xi32, #tpu.memory_space<vmem>> -> memref<1x4096xi32, #tpu.memory_space<vmem>>
        %dma_start3A_138 = tpu.memref_squeeze %dma_start3A_137 : memref<1x4096xi32, #tpu.memory_space<vmem>> -> memref<4096xi32, #tpu.memory_space<vmem>>
        %dma_start3A_139 = tpu.memref_slice %arg2[%run_scoped3A_121, %add3A_119] : memref<3x262144xi32, #tpu.memory_space<hbm>> -> memref<1x4096xi32, #tpu.memory_space<hbm>>
        %dma_start3A_140 = tpu.memref_squeeze %dma_start3A_139 : memref<1x4096xi32, #tpu.memory_space<hbm>> -> memref<4096xi32, #tpu.memory_space<hbm>>
        tpu.enqueue_dma source(%dma_start3A_140 : memref<4096xi32, #tpu.memory_space<hbm>>) target(%dma_start3A_138 : memref<4096xi32, #tpu.memory_space<vmem>>) target_semaphore(%run_scoped3A_130 : memref<!tpu.dma_semaphore, #tpu.memory_space<semaphore_mem>>)
        %dma_wait3A_141 = arith.constant 0 : i32
        %dma_wait3A_142 = tpu.memref_slice %arg5[%run_scoped3A_122, %dma_wait3A_141] : memref<3x4096xi32, #tpu.memory_space<vmem>> -> memref<1x4096xi32, #tpu.memory_space<vmem>>
        %dma_wait3A_143 = tpu.memref_squeeze %dma_wait3A_142 : memref<1x4096xi32, #tpu.memory_space<vmem>> -> memref<4096xi32, #tpu.memory_space<vmem>>
        %dma_wait3A_144 = tpu.memref_slice %arg2[%run_scoped3A_121, %add3A_119] : memref<3x262144xi32, #tpu.memory_space<hbm>> -> memref<1x4096xi32, #tpu.memory_space<hbm>>
        %dma_wait3A_145 = tpu.memref_squeeze %dma_wait3A_144 : memref<1x4096xi32, #tpu.memory_space<hbm>> -> memref<4096xi32, #tpu.memory_space<hbm>>
        %dma_wait3A_146 = arith.constant 0 : i32
        %dma_wait3A_147 = tpu.memref_slice %arg5[%run_scoped3A_122, %dma_wait3A_146] : memref<3x4096xi32, #tpu.memory_space<vmem>> -> memref<1x4096xi32, #tpu.memory_space<vmem>>
        %dma_wait3A_148 = tpu.memref_squeeze %dma_wait3A_147 : memref<1x4096xi32, #tpu.memory_space<vmem>> -> memref<4096xi32, #tpu.memory_space<vmem>>
        %dma_wait3A_149 = tpu.memref_slice %arg2[%run_scoped3A_121, %add3A_119] : memref<3x262144xi32, #tpu.memory_space<hbm>> -> memref<1x4096xi32, #tpu.memory_space<hbm>>
        %dma_wait3A_150 = tpu.memref_squeeze %dma_wait3A_149 : memref<1x4096xi32, #tpu.memory_space<hbm>> -> memref<4096xi32, #tpu.memory_space<hbm>>
        tpu.wait_dma2 semaphore(%run_scoped3A_130 : memref<!tpu.dma_semaphore, #tpu.memory_space<semaphore_mem>>) src(%dma_wait3A_150 : memref<4096xi32, #tpu.memory_space<hbm>>) dst(%dma_wait3A_148 : memref<4096xi32, #tpu.memory_space<vmem>>)
        tpu.yield
      }) : () -> ()
      %run_scoped3A_123 = arith.constant 2 : i32
      %run_scoped3A_124 = arith.constant 2 : i32
      "tpu.region"() ({
        %run_scoped3A_130 = tpu.sem_alloc : memref<!tpu.dma_semaphore, #tpu.memory_space<semaphore_mem>>
        %dma_start3A_131 = arith.constant 0 : i32
        %dma_start3A_132 = tpu.memref_slice %arg5[%run_scoped3A_124, %dma_start3A_131] : memref<3x4096xi32, #tpu.memory_space<vmem>> -> memref<1x4096xi32, #tpu.memory_space<vmem>>
        %dma_start3A_133 = tpu.memref_squeeze %dma_start3A_132 : memref<1x4096xi32, #tpu.memory_space<vmem>> -> memref<4096xi32, #tpu.memory_space<vmem>>
        %dma_start3A_134 = tpu.memref_slice %arg2[%run_scoped3A_123, %add3A_119] : memref<3x262144xi32, #tpu.memory_space<hbm>> -> memref<1x4096xi32, #tpu.memory_space<hbm>>
        %dma_start3A_135 = tpu.memref_squeeze %dma_start3A_134 : memref<1x4096xi32, #tpu.memory_space<hbm>> -> memref<4096xi32, #tpu.memory_space<hbm>>
        %dma_start3A_136 = arith.constant 0 : i32
        %dma_start3A_137 = tpu.memref_slice %arg5[%run_scoped3A_124, %dma_start3A_136] : memref<3x4096xi32, #tpu.memory_space<vmem>> -> memref<1x4096xi32, #tpu.memory_space<vmem>>
        %dma_start3A_138 = tpu.memref_squeeze %dma_start3A_137 : memref<1x4096xi32, #tpu.memory_space<vmem>> -> memref<4096xi32, #tpu.memory_space<vmem>>
        %dma_start3A_139 = tpu.memref_slice %arg2[%run_scoped3A_123, %add3A_119] : memref<3x262144xi32, #tpu.memory_space<hbm>> -> memref<1x4096xi32, #tpu.memory_space<hbm>>
        %dma_start3A_140 = tpu.memref_squeeze %dma_start3A_139 : memref<1x4096xi32, #tpu.memory_space<hbm>> -> memref<4096xi32, #tpu.memory_space<hbm>>
        tpu.enqueue_dma source(%dma_start3A_140 : memref<4096xi32, #tpu.memory_space<hbm>>) target(%dma_start3A_138 : memref<4096xi32, #tpu.memory_space<vmem>>) target_semaphore(%run_scoped3A_130 : memref<!tpu.dma_semaphore, #tpu.memory_space<semaphore_mem>>)
        %dma_wait3A_141 = arith.constant 0 : i32
        %dma_wait3A_142 = tpu.memref_slice %arg5[%run_scoped3A_124, %dma_wait3A_141] : memref<3x4096xi32, #tpu.memory_space<vmem>> -> memref<1x4096xi32, #tpu.memory_space<vmem>>
        %dma_wait3A_143 = tpu.memref_squeeze %dma_wait3A_142 : memref<1x4096xi32, #tpu.memory_space<vmem>> -> memref<4096xi32, #tpu.memory_space<vmem>>
        %dma_wait3A_144 = tpu.memref_slice %arg2[%run_scoped3A_123, %add3A_119] : memref<3x262144xi32, #tpu.memory_space<hbm>> -> memref<1x4096xi32, #tpu.memory_space<hbm>>
        %dma_wait3A_145 = tpu.memref_squeeze %dma_wait3A_144 : memref<1x4096xi32, #tpu.memory_space<hbm>> -> memref<4096xi32, #tpu.memory_space<hbm>>
        %dma_wait3A_146 = arith.constant 0 : i32
        %dma_wait3A_147 = tpu.memref_slice %arg5[%run_scoped3A_124, %dma_wait3A_146] : memref<3x4096xi32, #tpu.memory_space<vmem>> -> memref<1x4096xi32, #tpu.memory_space<vmem>>
        %dma_wait3A_148 = tpu.memref_squeeze %dma_wait3A_147 : memref<1x4096xi32, #tpu.memory_space<vmem>> -> memref<4096xi32, #tpu.memory_space<vmem>>
        %dma_wait3A_149 = tpu.memref_slice %arg2[%run_scoped3A_123, %add3A_119] : memref<3x262144xi32, #tpu.memory_space<hbm>> -> memref<1x4096xi32, #tpu.memory_space<hbm>>
        %dma_wait3A_150 = tpu.memref_squeeze %dma_wait3A_149 : memref<1x4096xi32, #tpu.memory_space<hbm>> -> memref<4096xi32, #tpu.memory_space<hbm>>
        tpu.wait_dma2 semaphore(%run_scoped3A_130 : memref<!tpu.dma_semaphore, #tpu.memory_space<semaphore_mem>>) src(%dma_wait3A_150 : memref<4096xi32, #tpu.memory_space<hbm>>) dst(%dma_wait3A_148 : memref<4096xi32, #tpu.memory_space<vmem>>)
        tpu.yield
      }) : () -> ()
      %scan3A_125 = arith.constant 0 : i32
      %scan3A_126 = arith.constant 256 : i32
      %scan3A_127 = arith.addi %scan3A_125, %scan3A_126 : i32
      %scan3A_128 = arith.constant 1 : i32
      scf.for %scan3A_130 = %scan3A_125 to %scan3A_127 step %scan3A_128  : i32 {
        %mul3A_131 = arith.constant 256 : i32
        %mul3A_132 = arith.muli %scan3A_116, %mul3A_131 : i32
        %add3A_133 = arith.addi %mul3A_132, %scan3A_130 : i32
        %mul3A_134 = arith.constant 16 : i32
        %mul3A_135 = arith.muli %scan3A_130, %mul3A_134 : i32
        %get3A = arith.constant 0 : i32
        %get3A_136 = arith.index_cast %get3A : i32 to index
        %get3A_137 = arith.index_cast %mul3A_135 : i32 to index
        %get3A_138 = tpu.vector_load %arg5[%get3A_136, %get3A_137] {strides = array<i32>} : memref<3x4096xi32, #tpu.memory_space<vmem>>, vector<1x16xi32>,
        %get3A_139 = vector.shape_cast %get3A_138 : vector<1x16xi32> to vector<16xi32>
        %get3A_140 = arith.constant 1 : i32
        %get3A_141 = arith.index_cast %get3A_140 : i32 to index
        %get3A_142 = arith.index_cast %mul3A_135 : i32 to index
        %get3A_143 = tpu.vector_load %arg5[%get3A_141, %get3A_142] {strides = array<i32>} : memref<3x4096xi32, #tpu.memory_space<vmem>>, vector<1x16xi32>,
        %get3A_144 = vector.shape_cast %get3A_143 : vector<1x16xi32> to vector<16xi32>
        %get3A_145 = arith.constant 2 : i32
        %get3A_146 = arith.index_cast %get3A_145 : i32 to index
        %get3A_147 = arith.index_cast %mul3A_135 : i32 to index
        %get3A_148 = tpu.vector_load %arg5[%get3A_146, %get3A_147] {strides = array<i32>} : memref<3x4096xi32, #tpu.memory_space<vmem>>, vector<1x16xi32>,
        %get3A_149 = vector.shape_cast %get3A_148 : vector<1x16xi32> to vector<16xi32>
        %mul3A_150 = arith.constant 1024 : i32
        %mul3A_151 = vector.broadcast %mul3A_150 : i32 to vector<16xi32>
        %mul3A_152 = arith.muli %get3A_139, %mul3A_151 : vector<16xi32>
        %mul3A_153 = arith.constant 32 : i32
        %mul3A_154 = vector.broadcast %mul3A_153 : i32 to vector<16xi32>
        %mul3A_155 = arith.muli %get3A_144, %mul3A_154 : vector<16xi32>
        %add3A_156 = arith.addi %mul3A_152, %mul3A_155 : vector<16xi32>
        %add3A_157 = arith.addi %add3A_156, %get3A_149 : vector<16xi32>
        %jit3A = arith.constant 8 : i32
        %div3A = arith.divsi %add3A_133, %jit3A : i32
        %sign3A = arith.constant 0 : i32
        %sign3A_158 = arith.cmpi sgt, %add3A_133, %sign3A : i32
        %sign3A_159 = arith.extui %sign3A_158 : i1 to i32
        %sign3A_160 = arith.constant 0 : i32
        %sign3A_161 = arith.cmpi slt, %add3A_133, %sign3A_160 : i32
        %sign3A_162 = arith.extui %sign3A_161 : i1 to i32
        %sign3A_163 = arith.subi %sign3A_159, %sign3A_162 : i32
        %sign3A_164 = arith.constant 0 : i32
        %sign3A_165 = arith.cmpi sgt, %jit3A, %sign3A_164 : i32
        %sign3A_166 = arith.extui %sign3A_165 : i1 to i32
        %sign3A_167 = arith.constant 0 : i32
        %sign3A_168 = arith.cmpi slt, %jit3A, %sign3A_167 : i32
        %sign3A_169 = arith.extui %sign3A_168 : i1 to i32
        %sign3A_170 = arith.subi %sign3A_166, %sign3A_169 : i32
        %ne3A = arith.cmpi ne, %sign3A_163, %sign3A_170 : i32
        %rem3A = arith.remsi %add3A_133, %jit3A : i32
        %ne3A_171 = arith.constant 0 : i32
        %ne3A_172 = arith.cmpi ne, %rem3A, %ne3A_171 : i32
        %and3A = arith.andi %ne3A, %ne3A_172 : i1
        %sub3A = arith.constant 1 : i32
        %sub3A_173 = arith.subi %div3A, %sub3A : i32
        %select_n3A = arith.select %and3A, %sub3A_173, %div3A : i32
        %jit3A_174 = arith.constant 8 : i32
        %eq3A = arith.constant 0 : i32
        %eq3A_175 = arith.cmpi eq, %jit3A_174, %eq3A : i32
        %jit3A_176 = arith.constant 1 : i32
        %select_n3A_177 = arith.select %eq3A_175, %jit3A_176, %jit3A_174 : i32
        %rem3A_178 = arith.remsi %add3A_133, %select_n3A_177 : i32
        %ne3A_179 = arith.constant 0 : i32
        %ne3A_180 = arith.cmpi ne, %rem3A_178, %ne3A_179 : i32
        %lt3A = arith.constant 0 : i32
        %lt3A_181 = arith.cmpi slt, %rem3A_178, %lt3A : i32
        %lt3A_182 = arith.constant 0 : i32
        %lt3A_183 = arith.cmpi slt, %select_n3A_177, %lt3A_182 : i32
        %ne3A_184 = arith.xori %lt3A_181, %lt3A_183 : i1
        %and3A_185 = arith.andi %ne3A_184, %ne3A_180 : i1
        %add3A_186 = arith.addi %rem3A_178, %select_n3A_177 : i32
        %select_n3A_187 = arith.select %and3A_185, %add3A_186, %rem3A_178 : i32
        %mul3A_188 = arith.constant 16 : i32
        %mul3A_189 = arith.muli %select_n3A_187, %mul3A_188 : i32
        %swap3A = arith.index_cast %select_n3A : i32 to index
        %swap3A_190 = arith.index_cast %mul3A_189 : i32 to index
        %swap3A_191 = tpu.vector_load %arg6[%swap3A, %swap3A_190] {strides = array<i32>} : memref<64x128xi32, #tpu.memory_space<vmem>>, vector<1x16xi32>,
        %swap3A_192 = vector.shape_cast %swap3A_191 : vector<1x16xi32> to vector<16xi32>
        %swap3A_193 = vector.shape_cast %add3A_157 : vector<16xi32> to vector<1x16xi32>
        tpu.vector_store %arg6[%swap3A, %swap3A_190], %swap3A_193 {strides = array<i32>} : memref<64x128xi32, #tpu.memory_space<vmem>>, vector<1x16xi32>,
      }
      %scan3A_129 = arith.constant 256 : i32
    }
    %scan3A_7 = arith.constant 2 : i32
    %dma_start3A = arith.constant 0 : i32
    %dma_start3A_8 = arith.constant 0 : i32
    %dma_start3A_9 = arith.constant 0 : i32
    %dma_start3A_10 = arith.constant 0 : i32
    %dma_start3A_11 = tpu.memref_slice %arg7[%dma_start3A_8, %dma_start3A_9, %dma_start3A_10] : memref<2x128x384xf32, #tpu.memory_space<vmem>> -> memref<1x128x384xf32, #tpu.memory_space<vmem>>
    %dma_start3A_12 = tpu.memref_squeeze %dma_start3A_11 : memref<1x128x384xf32, #tpu.memory_space<vmem>> -> memref<128x384xf32, #tpu.memory_space<vmem>>
    %dma_start3A_13 = arith.constant 0 : i32
    %dma_start3A_14 = tpu.memref_slice %arg6[%dma_start3A, %dma_start3A_13] : memref<64x128xi32, #tpu.memory_space<vmem>> -> memref<1x128xi32, #tpu.memory_space<vmem>>
    %dma_start3A_15 = tpu.memref_squeeze %dma_start3A_14 : memref<1x128xi32, #tpu.memory_space<vmem>> -> memref<128xi32, #tpu.memory_space<vmem>>
    %dma_start3A_16 = arith.constant 0 : i32
    %dma_start3A_17 = arith.constant 0 : i32
    %dma_start3A_18 = tpu.memref_slice %arg3[%dma_start3A_16, %dma_start3A_17] : memref<32768x384xf32, #tpu.memory_space<hbm>> -> memref<32768x384xf32, #tpu.memory_space<hbm>>
    tpu.enqueue_indirect_dma source(%dma_start3A_18 : memref<32768x384xf32, #tpu.memory_space<hbm>>) target(%dma_start3A_12 : memref<128x384xf32, #tpu.memory_space<vmem>>) offsets(%dma_start3A_15 : memref<128xi32, #tpu.memory_space<vmem>>) semaphore(%arg8 : memref<!tpu.dma_semaphore, #tpu.memory_space<semaphore_mem>>)
    %dma_wait3A = arith.constant 0 : i32
    %dma_wait3A_19 = arith.constant 0 : i32
    %dma_wait3A_20 = arith.constant 0 : i32
    %dma_wait3A_21 = arith.constant 0 : i32
    %dma_wait3A_22 = tpu.memref_slice %arg7[%dma_wait3A_19, %dma_wait3A_20, %dma_wait3A_21] : memref<2x128x384xf32, #tpu.memory_space<vmem>> -> memref<1x128x384xf32, #tpu.memory_space<vmem>>
    %dma_wait3A_23 = tpu.memref_squeeze %dma_wait3A_22 : memref<1x128x384xf32, #tpu.memory_space<vmem>> -> memref<128x384xf32, #tpu.memory_space<vmem>>
    %dma_wait3A_24 = arith.constant 0 : i32
    %dma_wait3A_25 = tpu.memref_slice %arg6[%dma_wait3A, %dma_wait3A_24] : memref<64x128xi32, #tpu.memory_space<vmem>> -> memref<1x128xi32, #tpu.memory_space<vmem>>
    %dma_wait3A_26 = tpu.memref_squeeze %dma_wait3A_25 : memref<1x128xi32, #tpu.memory_space<vmem>> -> memref<128xi32, #tpu.memory_space<vmem>>
    %dma_wait3A_27 = arith.constant 0 : i32
    %dma_wait3A_28 = arith.constant 0 : i32
    %dma_wait3A_29 = tpu.memref_slice %arg3[%dma_wait3A_27, %dma_wait3A_28] : memref<32768x384xf32, #tpu.memory_space<hbm>> -> memref<32768x384xf32, #tpu.memory_space<hbm>>
    tpu.wait_indirect_dma semaphore(%arg8 : memref<!tpu.dma_semaphore, #tpu.memory_space<semaphore_mem>>) src(%dma_wait3A_29 : memref<32768x384xf32, #tpu.memory_space<hbm>>) dst(%dma_wait3A_23 : memref<128x384xf32, #tpu.memory_space<vmem>>)
    %add3A_30 = arith.constant 0 : i32
    %add3A_31 = arith.addi %mul3A_2, %add3A_30 : i32
    %dma_start3A_32 = arith.constant 0 : i32
    %dma_start3A_33 = arith.constant 0 : i32
    %dma_start3A_34 = arith.constant 0 : i32
    %dma_start3A_35 = tpu.memref_slice %arg7[%dma_start3A_32, %dma_start3A_33, %dma_start3A_34] : memref<2x128x384xf32, #tpu.memory_space<vmem>> -> memref<1x128x384xf32, #tpu.memory_space<vmem>>
    %dma_start3A_36 = tpu.memref_squeeze %dma_start3A_35 : memref<1x128x384xf32, #tpu.memory_space<vmem>> -> memref<128x384xf32, #tpu.memory_space<vmem>>
    %dma_start3A_37 = arith.constant 0 : i32
    %dma_start3A_38 = tpu.memref_slice %arg4[%add3A_31, %dma_start3A_37] : memref<262144x384xf32, #tpu.memory_space<hbm>> -> memref<128x384xf32, #tpu.memory_space<hbm>>
    %dma_start3A_39 = arith.constant 0 : i32
    %dma_start3A_40 = tpu.memref_slice %arg4[%add3A_31, %dma_start3A_39] : memref<262144x384xf32, #tpu.memory_space<hbm>> -> memref<128x384xf32, #tpu.memory_space<hbm>>
    %dma_start3A_41 = arith.constant 0 : i32
    %dma_start3A_42 = arith.constant 0 : i32
    %dma_start3A_43 = tpu.memref_slice %arg7[%dma_start3A_32, %dma_start3A_41, %dma_start3A_42] : memref<2x128x384xf32, #tpu.memory_space<vmem>> -> memref<1x128x384xf32, #tpu.memory_space<vmem>>
    %dma_start3A_44 = tpu.memref_squeeze %dma_start3A_43 : memref<1x128x384xf32, #tpu.memory_space<vmem>> -> memref<128x384xf32, #tpu.memory_space<vmem>>
    tpu.enqueue_dma source(%dma_start3A_44 : memref<128x384xf32, #tpu.memory_space<vmem>>) target(%dma_start3A_40 : memref<128x384xf32, #tpu.memory_space<hbm>>) target_semaphore(%arg9 : memref<!tpu.dma_semaphore, #tpu.memory_space<semaphore_mem>>)
    %dma_start3A_45 = arith.constant 1 : i32
    %dma_start3A_46 = arith.constant 1 : i32
    %dma_start3A_47 = arith.constant 0 : i32
    %dma_start3A_48 = arith.constant 0 : i32
    %dma_start3A_49 = tpu.memref_slice %arg7[%dma_start3A_46, %dma_start3A_47, %dma_start3A_48] : memref<2x128x384xf32, #tpu.memory_space<vmem>> -> memref<1x128x384xf32, #tpu.memory_space<vmem>>
    %dma_start3A_50 = tpu.memref_squeeze %dma_start3A_49 : memref<1x128x384xf32, #tpu.memory_space<vmem>> -> memref<128x384xf32, #tpu.memory_space<vmem>>
    %dma_start3A_51 = arith.constant 0 : i32
    %dma_start3A_52 = tpu.memref_slice %arg6[%dma_start3A_45, %dma_start3A_51] : memref<64x128xi32, #tpu.memory_space<vmem>> -> memref<1x128xi32, #tpu.memory_space<vmem>>
    %dma_start3A_53 = tpu.memref_squeeze %dma_start3A_52 : memref<1x128xi32, #tpu.memory_space<vmem>> -> memref<128xi32, #tpu.memory_space<vmem>>
    %dma_start3A_54 = arith.constant 0 : i32
    %dma_start3A_55 = arith.constant 0 : i32
    %dma_start3A_56 = tpu.memref_slice %arg3[%dma_start3A_54, %dma_start3A_55] : memref<32768x384xf32, #tpu.memory_space<hbm>> -> memref<32768x384xf32, #tpu.memory_space<hbm>>
    tpu.enqueue_indirect_dma source(%dma_start3A_56 : memref<32768x384xf32, #tpu.memory_space<hbm>>) target(%dma_start3A_50 : memref<128x384xf32, #tpu.memory_space<vmem>>) offsets(%dma_start3A_53 : memref<128xi32, #tpu.memory_space<vmem>>) semaphore(%arg8 : memref<!tpu.dma_semaphore, #tpu.memory_space<semaphore_mem>>)
    %dma_wait3A_57 = arith.constant 1 : i32
    %dma_wait3A_58 = arith.constant 1 : i32
    %dma_wait3A_59 = arith.constant 0 : i32
    %dma_wait3A_60 = arith.constant 0 : i32
    %dma_wait3A_61 = tpu.memref_slice %arg7[%dma_wait3A_58, %dma_wait3A_59, %dma_wait3A_60] : memref<2x128x384xf32, #tpu.memory_space<vmem>> -> memref<1x128x384xf32, #tpu.memory_space<vmem>>
    %dma_wait3A_62 = tpu.memref_squeeze %dma_wait3A_61 : memref<1x128x384xf32, #tpu.memory_space<vmem>> -> memref<128x384xf32, #tpu.memory_space<vmem>>
    %dma_wait3A_63 = arith.constant 0 : i32
    %dma_wait3A_64 = tpu.memref_slice %arg6[%dma_wait3A_57, %dma_wait3A_63] : memref<64x128xi32, #tpu.memory_space<vmem>> -> memref<1x128xi32, #tpu.memory_space<vmem>>
    %dma_wait3A_65 = tpu.memref_squeeze %dma_wait3A_64 : memref<1x128xi32, #tpu.memory_space<vmem>> -> memref<128xi32, #tpu.memory_space<vmem>>
    %dma_wait3A_66 = arith.constant 0 : i32
    %dma_wait3A_67 = arith.constant 0 : i32
    %dma_wait3A_68 = tpu.memref_slice %arg3[%dma_wait3A_66, %dma_wait3A_67] : memref<32768x384xf32, #tpu.memory_space<hbm>> -> memref<32768x384xf32, #tpu.memory_space<hbm>>
    tpu.wait_indirect_dma semaphore(%arg8 : memref<!tpu.dma_semaphore, #tpu.memory_space<semaphore_mem>>) src(%dma_wait3A_68 : memref<32768x384xf32, #tpu.memory_space<hbm>>) dst(%dma_wait3A_62 : memref<128x384xf32, #tpu.memory_space<vmem>>)
    %add3A_69 = arith.constant 128 : i32
    %add3A_70 = arith.addi %mul3A_2, %add3A_69 : i32
    %dma_start3A_71 = arith.constant 1 : i32
    %dma_start3A_72 = arith.constant 0 : i32
    %dma_start3A_73 = arith.constant 0 : i32
    %dma_start3A_74 = tpu.memref_slice %arg7[%dma_start3A_71, %dma_start3A_72, %dma_start3A_73] : memref<2x128x384xf32, #tpu.memory_space<vmem>> -> memref<1x128x384xf32, #tpu.memory_space<vmem>>
    %dma_start3A_75 = tpu.memref_squeeze %dma_start3A_74 : memref<1x128x384xf32, #tpu.memory_space<vmem>> -> memref<128x384xf32, #tpu.memory_space<vmem>>
    %dma_start3A_76 = arith.constant 0 : i32
    %dma_start3A_77 = tpu.memref_slice %arg4[%add3A_70, %dma_start3A_76] : memref<262144x384xf32, #tpu.memory_space<hbm>> -> memref<128x384xf32, #tpu.memory_space<hbm>>
    %dma_start3A_78 = arith.constant 0 : i32
    %dma_start3A_79 = tpu.memref_slice %arg4[%add3A_70, %dma_start3A_78] : memref<262144x384xf32, #tpu.memory_space<hbm>> -> memref<128x384xf32, #tpu.memory_space<hbm>>
    %dma_start3A_80 = arith.constant 0 : i32
    %dma_start3A_81 = arith.constant 0 : i32
    %dma_start3A_82 = tpu.memref_slice %arg7[%dma_start3A_71, %dma_start3A_80, %dma_start3A_81] : memref<2x128x384xf32, #tpu.memory_space<vmem>> -> memref<1x128x384xf32, #tpu.memory_space<vmem>>
    %dma_start3A_83 = tpu.memref_squeeze %dma_start3A_82 : memref<1x128x384xf32, #tpu.memory_space<vmem>> -> memref<128x384xf32, #tpu.memory_space<vmem>>
    tpu.enqueue_dma source(%dma_start3A_83 : memref<128x384xf32, #tpu.memory_space<vmem>>) target(%dma_start3A_79 : memref<128x384xf32, #tpu.memory_space<hbm>>) target_semaphore(%arg9 : memref<!tpu.dma_semaphore, #tpu.memory_space<semaphore_mem>>)
    %scan3A_84 = arith.constant 0 : i32
    %scan3A_85 = arith.constant 2 : i32
    %scan3A_86 = arith.constant 62 : i32
    %scan3A_87 = arith.addi %scan3A_85, %scan3A_86 : i32
    %scan3A_88 = arith.constant 1 : i32
    scf.for %scan3A_116 = %scan3A_85 to %scan3A_87 step %scan3A_88  : i32 {
      %rem3A = arith.constant 2 : i32
      %rem3A_117 = arith.remsi %scan3A_116, %rem3A : i32
      %dma_wait3A_118 = arith.constant 0 : i32
      %dma_wait3A_119 = arith.constant 0 : i32
      %dma_wait3A_120 = arith.constant 0 : i32
      %dma_wait3A_121 = tpu.memref_slice %arg7[%dma_wait3A_118, %dma_wait3A_119, %dma_wait3A_120] : memref<2x128x384xf32, #tpu.memory_space<vmem>> -> memref<1x128x384xf32, #tpu.memory_space<vmem>>
      %dma_wait3A_122 = tpu.memref_squeeze %dma_wait3A_121 : memref<1x128x384xf32, #tpu.memory_space<vmem>> -> memref<128x384xf32, #tpu.memory_space<vmem>>
      %dma_wait3A_123 = arith.constant 0 : i32
      %dma_wait3A_124 = tpu.memref_slice %arg4[%mul3A_2, %dma_wait3A_123] : memref<262144x384xf32, #tpu.memory_space<hbm>> -> memref<128x384xf32, #tpu.memory_space<hbm>>
      %dma_wait3A_125 = arith.constant 0 : i32
      %dma_wait3A_126 = tpu.memref_slice %arg4[%mul3A_2, %dma_wait3A_125] : memref<262144x384xf32, #tpu.memory_space<hbm>> -> memref<128x384xf32, #tpu.memory_space<hbm>>
      %dma_wait3A_127 = arith.constant 0 : i32
      %dma_wait3A_128 = arith.constant 0 : i32
      %dma_wait3A_129 = tpu.memref_slice %arg7[%dma_wait3A_118, %dma_wait3A_127, %dma_wait3A_128] : memref<2x128x384xf32, #tpu.memory_space<vmem>> -> memref<1x128x384xf32, #tpu.memory_space<vmem>>
      %dma_wait3A_130 = tpu.memref_squeeze %dma_wait3A_129 : memref<1x128x384xf32, #tpu.memory_space<vmem>> -> memref<128x384xf32, #tpu.memory_space<vmem>>
      tpu.wait_dma2 semaphore(%arg9 : memref<!tpu.dma_semaphore, #tpu.memory_space<semaphore_mem>>) src(%dma_wait3A_130 : memref<128x384xf32, #tpu.memory_space<vmem>>) dst(%dma_wait3A_126 : memref<128x384xf32, #tpu.memory_space<hbm>>)
      %dma_start3A_131 = arith.constant 0 : i32
      %dma_start3A_132 = arith.constant 0 : i32
      %dma_start3A_133 = tpu.memref_slice %arg7[%rem3A_117, %dma_start3A_131, %dma_start3A_132] : memref<2x128x384xf32, #tpu.memory_space<vmem>> -> memref<1x128x384xf32, #tpu.memory_space<vmem>>
      %dma_start3A_134 = tpu.memref_squeeze %dma_start3A_133 : memref<1x128x384xf32, #tpu.memory_space<vmem>> -> memref<128x384xf32, #tpu.memory_space<vmem>>
      %dma_start3A_135 = arith.constant 0 : i32
      %dma_start3A_136 = tpu.memref_slice %arg6[%scan3A_116, %dma_start3A_135] : memref<64x128xi32, #tpu.memory_space<vmem>> -> memref<1x128xi32, #tpu.memory_space<vmem>>
      %dma_start3A_137 = tpu.memref_squeeze %dma_start3A_136 : memref<1x128xi32, #tpu.memory_space<vmem>> -> memref<128xi32, #tpu.memory_space<vmem>>
      %dma_start3A_138 = arith.constant 0 : i32
      %dma_start3A_139 = arith.constant 0 : i32
      %dma_start3A_140 = tpu.memref_slice %arg3[%dma_start3A_138, %dma_start3A_139] : memref<32768x384xf32, #tpu.memory_space<hbm>> -> memref<32768x384xf32, #tpu.memory_space<hbm>>
      tpu.enqueue_indirect_dma source(%dma_start3A_140 : memref<32768x384xf32, #tpu.memory_space<hbm>>) target(%dma_start3A_134 : memref<128x384xf32, #tpu.memory_space<vmem>>) offsets(%dma_start3A_137 : memref<128xi32, #tpu.memory_space<vmem>>) semaphore(%arg8 : memref<!tpu.dma_semaphore, #tpu.memory_space<semaphore_mem>>)
      %dma_wait3A_141 = arith.constant 0 : i32
      %dma_wait3A_142 = arith.constant 0 : i32
      %dma_wait3A_143 = tpu.memref_slice %arg7[%rem3A_117, %dma_wait3A_141, %dma_wait3A_142] : memref<2x128x384xf32, #tpu.memory_space<vmem>> -> memref<1x128x384xf32, #tpu.memory_space<vmem>>
      %dma_wait3A_144 = tpu.memref_squeeze %dma_wait3A_143 : memref<1x128x384xf32, #tpu.memory_space<vmem>> -> memref<128x384xf32, #tpu.memory_space<vmem>>
      %dma_wait3A_145 = arith.constant 0 : i32
      %dma_wait3A_146 = tpu.memref_slice %arg6[%scan3A_116, %dma_wait3A_145] : memref<64x128xi32, #tpu.memory_space<vmem>> -> memref<1x128xi32, #tpu.memory_space<vmem>>
      %dma_wait3A_147 = tpu.memref_squeeze %dma_wait3A_146 : memref<1x128xi32, #tpu.memory_space<vmem>> -> memref<128xi32, #tpu.memory_space<vmem>>
      %dma_wait3A_148 = arith.constant 0 : i32
      %dma_wait3A_149 = arith.constant 0 : i32
      %dma_wait3A_150 = tpu.memref_slice %arg3[%dma_wait3A_148, %dma_wait3A_149] : memref<32768x384xf32, #tpu.memory_space<hbm>> -> memref<32768x384xf32, #tpu.memory_space<hbm>>
      tpu.wait_indirect_dma semaphore(%arg8 : memref<!tpu.dma_semaphore, #tpu.memory_space<semaphore_mem>>) src(%dma_wait3A_150 : memref<32768x384xf32, #tpu.memory_space<hbm>>) dst(%dma_wait3A_144 : memref<128x384xf32, #tpu.memory_space<vmem>>)
      %mul3A_151 = arith.constant 128 : i32
      %mul3A_152 = arith.muli %scan3A_116, %mul3A_151 : i32
      %add3A_153 = arith.addi %mul3A_2, %mul3A_152 : i32
      %dma_start3A_154 = arith.constant 0 : i32
      %dma_start3A_155 = arith.constant 0 : i32
      %dma_start3A_156 = tpu.memref_slice %arg7[%rem3A_117, %dma_start3A_154, %dma_start3A_155] : memref<2x128x384xf32, #tpu.memory_space<vmem>> -> memref<1x128x384xf32, #tpu.memory_space<vmem>>
      %dma_start3A_157 = tpu.memref_squeeze %dma_start3A_156 : memref<1x128x384xf32, #tpu.memory_space<vmem>> -> memref<128x384xf32, #tpu.memory_space<vmem>>
      %dma_start3A_158 = arith.constant 0 : i32
      %dma_start3A_159 = tpu.memref_slice %arg4[%add3A_153, %dma_start3A_158] : memref<262144x384xf32, #tpu.memory_space<hbm>> -> memref<128x384xf32, #tpu.memory_space<hbm>>
      %dma_start3A_160 = arith.constant 0 : i32
      %dma_start3A_161 = tpu.memref_slice %arg4[%add3A_153, %dma_start3A_160] : memref<262144x384xf32, #tpu.memory_space<hbm>> -> memref<128x384xf32, #tpu.memory_space<hbm>>
      %dma_start3A_162 = arith.constant 0 : i32
      %dma_start3A_163 = arith.constant 0 : i32
      %dma_start3A_164 = tpu.memref_slice %arg7[%rem3A_117, %dma_start3A_162, %dma_start3A_163] : memref<2x128x384xf32, #tpu.memory_space<vmem>> -> memref<1x128x384xf32, #tpu.memory_space<vmem>>
      %dma_start3A_165 = tpu.memref_squeeze %dma_start3A_164 : memref<1x128x384xf32, #tpu.memory_space<vmem>> -> memref<128x384xf32, #tpu.memory_space<vmem>>
      tpu.enqueue_dma source(%dma_start3A_165 : memref<128x384xf32, #tpu.memory_space<vmem>>) target(%dma_start3A_161 : memref<128x384xf32, #tpu.memory_space<hbm>>) target_semaphore(%arg9 : memref<!tpu.dma_semaphore, #tpu.memory_space<semaphore_mem>>)
    }
    %scan3A_89 = arith.constant 62 : i32
    %dma_wait3A_90 = arith.constant 0 : i32
    %dma_wait3A_91 = arith.constant 0 : i32
    %dma_wait3A_92 = arith.constant 0 : i32
    %dma_wait3A_93 = tpu.memref_slice %arg7[%dma_wait3A_90, %dma_wait3A_91, %dma_wait3A_92] : memref<2x128x384xf32, #tpu.memory_space<vmem>> -> memref<1x128x384xf32, #tpu.memory_space<vmem>>
    %dma_wait3A_94 = tpu.memref_squeeze %dma_wait3A_93 : memref<1x128x384xf32, #tpu.memory_space<vmem>> -> memref<128x384xf32, #tpu.memory_space<vmem>>
    %dma_wait3A_95 = arith.constant 0 : i32
    %dma_wait3A_96 = tpu.memref_slice %arg4[%mul3A_2, %dma_wait3A_95] : memref<262144x384xf32, #tpu.memory_space<hbm>> -> memref<128x384xf32, #tpu.memory_space<hbm>>
    %dma_wait3A_97 = arith.constant 0 : i32
    %dma_wait3A_98 = tpu.memref_slice %arg4[%mul3A_2, %dma_wait3A_97] : memref<262144x384xf32, #tpu.memory_space<hbm>> -> memref<128x384xf32, #tpu.memory_space<hbm>>
    %dma_wait3A_99 = arith.constant 0 : i32
    %dma_wait3A_100 = arith.constant 0 : i32
    %dma_wait3A_101 = tpu.memref_slice %arg7[%dma_wait3A_90, %dma_wait3A_99, %dma_wait3A_100] : memref<2x128x384xf32, #tpu.memory_space<vmem>> -> memref<1x128x384xf32, #tpu.memory_space<vmem>>
    %dma_wait3A_102 = tpu.memref_squeeze %dma_wait3A_101 : memref<1x128x384xf32, #tpu.memory_space<vmem>> -> memref<128x384xf32, #tpu.memory_space<vmem>>
    tpu.wait_dma2 semaphore(%arg9 : memref<!tpu.dma_semaphore, #tpu.memory_space<semaphore_mem>>) src(%dma_wait3A_102 : memref<128x384xf32, #tpu.memory_space<vmem>>) dst(%dma_wait3A_98 : memref<128x384xf32, #tpu.memory_space<hbm>>)
    %dma_wait3A_103 = arith.constant 0 : i32
    %dma_wait3A_104 = arith.constant 0 : i32
    %dma_wait3A_105 = arith.constant 0 : i32
    %dma_wait3A_106 = tpu.memref_slice %arg7[%dma_wait3A_103, %dma_wait3A_104, %dma_wait3A_105] : memref<2x128x384xf32, #tpu.memory_space<vmem>> -> memref<1x128x384xf32, #tpu.memory_space<vmem>>
    %dma_wait3A_107 = tpu.memref_squeeze %dma_wait3A_106 : memref<1x128x384xf32, #tpu.memory_space<vmem>> -> memref<128x384xf32, #tpu.memory_space<vmem>>
    %dma_wait3A_108 = arith.constant 0 : i32
    %dma_wait3A_109 = tpu.memref_slice %arg4[%mul3A_2, %dma_wait3A_108] : memref<262144x384xf32, #tpu.memory_space<hbm>> -> memref<128x384xf32, #tpu.memory_space<hbm>>
    %dma_wait3A_110 = arith.constant 0 : i32
    %dma_wait3A_111 = tpu.memref_slice %arg4[%mul3A_2, %dma_wait3A_110] : memref<262144x384xf32, #tpu.memory_space<hbm>> -> memref<128x384xf32, #tpu.memory_space<hbm>>
    %dma_wait3A_112 = arith.constant 0 : i32
    %dma_wait3A_113 = arith.constant 0 : i32
    %dma_wait3A_114 = tpu.memref_slice %arg7[%dma_wait3A_103, %dma_wait3A_112, %dma_wait3A_113] : memref<2x128x384xf32, #tpu.memory_space<vmem>> -> memref<1x128x384xf32, #tpu.memory_space<vmem>>
    %dma_wait3A_115 = tpu.memref_squeeze %dma_wait3A_114 : memref<1x128x384xf32, #tpu.memory_space<vmem>> -> memref<128x384xf32, #tpu.memory_space<vmem>>
    tpu.wait_dma2 semaphore(%arg9 : memref<!tpu.dma_semaphore, #tpu.memory_space<semaphore_mem>>) src(%dma_wait3A_115 : memref<128x384xf32, #tpu.memory_space<vmem>>) dst(%dma_wait3A_111 : memref<128x384xf32, #tpu.memory_space<hbm>>)
    return
  }
}

</mosaic_0001>

<sc_bundles>
// kernel: _sc_gather.3.cloned.1.call-start
scs
__scs_entry_jumppad:
0x0: {  	(pc) =	sbr.rel $0x88, $3  }
0x1: {  	(tag) =	ssettag $0x0;
	lr =	simm.s32 $0x1  }
0x2: {  	[smem:$0x3F9F] =	sst lr;
	_ =	strace $0xD0000000  }
0x3: {  	_ = 	snop  }
0x4: {  	_ = 	snop  }
0x5: {  	_ = 	snop  }
0x6: {  	_ = 	snop  }
0x7: {  	_ = 	snop  }
__scs_overlays_trampoline_lowered:
0x8: {  	[smem:$0x3FAE] =	sst s0  }
0x9: {  	[smem:$0x3FAF] =	sst s1  }
0xa: {  	[smem:$0x3FB0] =	sst s2  }
0xb: {  	[smem:$0x3FB1] =	sst s3  }
0xc: {  	[smem:$0x3FB2] =	sst s4  }
0xd: {  	[smem:$0x3FB3] =	sst s5  }
0xe: {  	[smem:$0x3FB4] =	sst s6  }
0xf: {  	[smem:$0x3FB5] =	sst s7  }
0x10: {  	[smem:$0x3FB6] =	sst s8  }
0x11: {  	[smem:$0x3FB7] =	sst s9;
	s0 =	simm.s32 @!p0 $0x0  }
0x12: {  	s1 =	sld [smem:$0x3F9D];
	s0 =	simm.s32 @p0 $0x1  }
0x13: {  	[smem:$0x3FB8] =	sst s0;
	s0 =	simm.s32 @!p1 $0x0  }
0x14: {  	s2 =	sld [smem:$0x3F9C];
	s0 =	simm.s32 @p1 $0x1  }
0x15: {  	[smem:$0x3FB9] =	sst s0;
	s0 =	simm.s32 @!p2 $0x0  }
0x16: {  	s3 =	sld [smem:$0x3FDB];
	s0 =	simm.s32 @p2 $0x1  }
0x17: {  	s4 =	simm.s32 $0x1BF5;
	[smem:$0x3FBB] =	sst s0  }
0x18: {  	s0 =	sld [smem:$0x3F9E];
	_ =	swait.ge [sflag:s4], $0x0  }
0x19: {  	s7 =	sld [smem:$0x3F9F]  }
0x1a: {  	s8 =	sadd.s32 $0xFFFFE003, lr  }
0x1b: {  	s9 =	sadd.s32 $0xFFFFFEF7, lr;
	s5 =	simm.s32 $0xFFFFFFFF;
	p2 =	slt.u32 s8, $0xFFFFF086  }
0x1c: {  	p1 =	slt.u32 s9, $0xF7A;
	s5 =	simm.s32 @!p2 $0x0  }
0x1d: {  	s5 =	simm.s32 @p1 $0x1;
	p0 =	seq.s32 s7, s2  }
0x1e: {  	s7 =	smul.u32 @!p0 $0xF7A, s2;
	p2 =	seq.s32 @!p0 s5, $0x0  }
0x1f: {  	s9 =	smul.u32 $0xF7A, s1;
	s8 =	simm.s32 @!p0 $0x1BF5;
	p2 =	por !p2, p0  }
0x20: {  	[sflag:s8] =	ssyncset.s32 @!p0 $0xFFFFF086;
	s6 =	sadd.s32 @!p0 s3, s7;
	s7 =	simm.s32 @!p0 $0x108  }
0x21: {  	s3 =	sadd.s32 s3, s9;
	s6 =	sadd.s32 @!p0 $0x88, s6;
	s7 =	simm.s32 @p2 $0x1082  }
0x22: {  	[simem:s7], [sflag:s8] =	dma.local @!p0 [hbm:s6], $0xF7A  }
0x23: {  	s9 =	sor.u32 $0xD0000000, s2;
	s6 =	simm.s32 $0x108;
	_ =	swait.ge @!p0 [sflag:s8], $0x0  }
0x24: {  	s3 =	sadd.s32 $0x88, s3;
	s6 =	simm.s32 @!p1 $0x1082;
	[sflag:s4] =	ssyncset.s32 $0xFFFFF086  }
0x25: {  	[simem:s6], [sflag:s4] =	dma.local [hbm:s3], $0xF7A  }
0x26: {  	[smem:$0x3F9F] =	sst s1;
	(tag) =	ssettag s2;
	_ =	strace s9  }
0x27: {  	s1 =	sld [smem:$0x3FAF]  }
0x28: {  	s2 =	sld [smem:$0x3FB0]  }
0x29: {  	s4 =	sld [smem:$0x3FB2]  }
0x2a: {  	p0 =	seq.s32 s5, $0x0;
	s5 =	sld [smem:$0x3FB3]  }
0x2b: {  	s6 =	sld [smem:$0x3FB4]  }
0x2c: {  	s7 =	sld [smem:$0x3FB5]  }
0x2d: {  	s3 =	simm.s32 $0x108;
	s8 =	sld [smem:$0x3FB6]  }
0x2e: {  	s3 =	simm.s32 @!p0 $0x1082;
	s9 =	sld [smem:$0x3FB7]  }
0x2f: {  	lr =	sadd.s32 s0, s3;
	s0 =	sld [smem:$0x3FAE]  }
0x30: {  	s3 =	sld [smem:$0x3FB1]  }
0x31: {  	[smem:$0x3FBA] =	sst s10  }
0x32: {  	s10 =	sld [smem:$0x3FB8];
	_ =	sdelay $0x3  }
0x33: {  	p0 =	seq.s32 s10, $0x1;
	s10 =	sld [smem:$0x3FBA];
	_ =	sdelay $0x3  }
0x34: {  	[smem:$0x3FBA] =	sst s10  }
0x35: {  	s10 =	sld [smem:$0x3FB9];
	_ =	sdelay $0x3  }
0x36: {  	p1 =	seq.s32 s10, $0x1;
	s10 =	sld [smem:$0x3FBA];
	_ =	sdelay $0x3  }
0x37: {  	[smem:$0x3FBA] =	sst s10  }
0x38: {  	s10 =	sld [smem:$0x3FBB]  }
0x39: {  	_ = 	snop;
	(pc) =	sbr.ind lr, $3  }
0x3a: {  	_ = 	snop  }
0x3b: {  	_ = 	snop  }
0x3c: {  	p2 =	seq.s32 s10, $0x1;
	s10 =	sld [smem:$0x3FBA]  }
0x3d: {  	_ =	shalt  }
0x3e: {  	_ =	shalt  }
0x3f: {  	_ =	shalt  }
0x40: {  	_ =	shalt  }
0x41: {  	_ =	shalt  }
0x42: {  	_ =	shalt  }
0x43: {  	_ =	shalt  }
0x44: {  	_ =	shalt  }
0x45: {  	_ =	shalt  }
0x46: {  	_ =	shalt  }
0x47: {  	_ =	shalt  }
0x48: {  	_ =	shalt  }
0x49: {  	_ =	shalt  }
0x4a: {  	_ =	shalt  }
0x4b: {  	_ =	shalt  }
0x4c: {  	_ =	shalt  }
0x4d: {  	_ =	shalt  }
0x4e: {  	_ =	shalt  }
0x4f: {  	_ =	shalt  }
0x50: {  	_ =	shalt  }
0x51: {  	_ =	shalt  }
0x52: {  	_ =	shalt  }
0x53: {  	_ =	shalt  }
0x54: {  	_ =	shalt  }
0x55: {  	_ =	shalt  }
0x56: {  	_ =	shalt  }
0x57: {  	_ =	shalt  }
0x58: {  	_ =	shalt  }
0x59: {  	_ =	shalt  }
0x5a: {  	_ =	shalt  }
0x5b: {  	_ =	shalt  }
0x5c: {  	_ =	shalt  }
0x5d: {  	_ =	shalt  }
0x5e: {  	_ =	shalt  }
0x5f: {  	_ =	shalt  }
0x60: {  	_ =	shalt  }
0x61: {  	_ =	shalt  }
0x62: {  	_ =	shalt  }
0x63: {  	_ =	shalt  }
0x64: {  	_ =	shalt  }
0x65: {  	_ =	shalt  }
0x66: {  	_ =	shalt  }
0x67: {  	_ =	shalt  }
0x68: {  	_ =	shalt  }
0x69: {  	_ =	shalt  }
0x6a: {  	_ =	shalt  }
0x6b: {  	_ =	shalt  }
0x6c: {  	_ =	shalt  }
0x6d: {  	_ =	shalt  }
0x6e: {  	_ =	shalt  }
0x6f: {  	_ =	shalt  }
0x70: {  	_ =	shalt  }
0x71: {  	_ =	shalt  }
0x72: {  	_ =	shalt  }
0x73: {  	_ =	shalt  }
0x74: {  	_ =	shalt  }
0x75: {  	_ =	shalt  }
0x76: {  	_ =	shalt  }
0x77: {  	_ =	shalt  }
0x78: {  	_ =	shalt  }
0x79: {  	_ =	shalt  }
0x7a: {  	_ =	shalt  }
0x7b: {  	_ =	shalt  }
0x7c: {  	_ =	shalt  }
0x7d: {  	_ =	shalt  }
0x7e: {  	_ =	shalt  }
0x7f: {  	_ =	shalt  }
0x80: {  	_ =	shalt  }
0x81: {  	_ =	shalt  }
0x82: {  	_ =	shalt  }
0x83: {  	_ =	shalt  }
0x84: {  	_ =	shalt  }
0x85: {  	_ =	shalt  }
0x86: {  	_ =	shalt  }
0x87: {  	_ =	shalt  }
.Lfunc_end0:
.L_simem_size_0:
called_computation_lowered:
.L_overlay_start_0:
0x88: {  	s2 =	sld [smem:$0x3FD9]  }
0x89: {  	s3 =	sld [smem:$0x3FFE];
	_ =	sdelay $0x1  }
0x8a: {  	s1 =	srdreg.scid  }
0x8b: {  	s0 =	sand.u32 $0x1, s1  }
0x8c: {  	s17 =	sshll.u32 s0, $0xA;
	s2 =	sadd.s32 s3, s2  }
0x8d: {  	s2 =	sadd.s32 s2, s17  }
0x8e: {  	[smem:$0x3FC6] =	sst s2  }
0x8f: {  	_ = 	snop  }
0x90: {  	s2 =	sld [smem:$0x3FD0];
	(tm) =	ssettm $0x1  }
0x91: {  	s18 =	sld [smem:$0x3FFB];
	_ =	sdelay $0x3  }
0x92: {  	_ =	strace s18  }
0x93: {  	s3 =	sld [smem:$0x3FFC];
	_ =	sdelay $0x3  }
0x94: {  	_ =	strace s3  }
0x95: {  	s3 =	sld [smem:$0x3FFD];
	_ =	sdelay $0x3  }
0x96: {  	_ =	strace s3  }
0x97: {  	_ =	strace $0x8FFFFFFF  }
0x98: {  	s19 =	sld [smem:$0x3FDB];
	_ =	sdelay $0x1  }
0x99: {  	s4 =	simm.s32 $_scs_section_size  }
0x9a: {  	s5 =	simm.s32 $_size__tile_overlayer_lowered;
	s6 =	simm.s32 $_tile_overlayer_lowered  }
0x9b: {  	s22 =	simm.s32 $0x1BFF;
	s21 =	sshll.u32 s6, $0x1;
	s3 =	sadd.s32 s4, s19  }
0x9c: {  	s7 =	simm.s32 $0x0;
	s20 =	sshll.u32 s5, $0x1;
	s5 =	sadd.s32 s21, s3  }
0x9d: {  	[timem:s7], [sflag:s22] =	dma.local [hbm:s5], s20  }
0x9e: {  	_ =	swait.ge [sflag:s22], s20  }
0x9f: {  	s4 =	ssub.s32 $0x0, s20;
	[sflag:s22] =	ssyncset.done $0x0  }
0xa0: {  	[sflag:s22] =	ssyncadd.s32 s4;
	_ =	sdelay $0x1  }
0xa1: {  	s23 =	simm.s32 $0x1B8B  }
0xa2: {  	_ =	swait.ge [sflag:s23], $0x1  }
0xa3: {  	[sflag:s23] =	ssyncset.done $0x0  }
0xa4: {  	s25 =	simm.s32 $0x1B8E;
	s24 =	sld [smem:$0x3FFE];
	[sflag:s23] =	ssyncadd.s32 $0xFFFFFFFF  }
0xa5: {  	s26 =	simm.s32 $execute0_lowered;
	[smem:$0x3FD2] =	sst s25  }
0xa6: {  	s5 =	sshll.u32 s26, $0x1;
	_ =	strace $0x80000046;
	[dreg:$0x1] =	wrdreg $0xFFFFFFFF  }
0xa7: {  	s28 =	simm.s32 $_size_execute0_lowered;
	s3 =	sadd.s32 s3, s5;
	[dreg:$0x0] =	wrdreg $0x0  }
0xa8: {  	s5 =	sshll.u32 s28, $0x1;
	[dreg:$0x2] =	wrdreg s3  }
0xa9: {  	[dreg:$0x3] =	wrdreg s5  }
0xaa: {  	[dreg:$0x4] =	wrdreg $0xC0  }
0xab: {  	_ =	task [dreg:s7], $0x5FFFF  }
0xac: {  	[dreg:$0x1] =	wrdreg $0xFFFFFFFF  }
0xad: {  	[dreg:$0x0] =	wrdreg $0x60  }
0xae: {  	[dreg:$0x2] =	wrdreg s24  }
0xaf: {  	[dreg:$0x3] =	wrdreg s2  }
0xb0: {  	[dreg:$0x4] =	wrdreg $0x9  }
0xb1: {  	_ =	task.clear_ibuf [dreg:s7], $0x5FFFF;
	_ =	strace $0x90000046  }
0xb2: {  	s29 =	simm.s32 $0x9;
	_ =	strace $0x80000048  }
0xb3: {  	_ =	swait.ge [sflag:s29], $0x1  }
0xb4: {  	[sflag:s29] =	ssyncadd.s32 $0xFFFFFFFF  }
0xb5: {  	_ =	strace $0x90000048  }
0xb6: {  	_ =	sfence  }
0xb7: {  	s30 =	sld [smem:$0x0];
	_ =	sdelay $0x2  }
0xb8: {  	s31 =	sshll.u32 s1, $0xD;
	s1 =	sshrl.u32 s1, $0x2  }
0xb9: {  	s3 =	sand.u32 $0x4000, s31;
	s1 =	sadd.s32 s1, s30  }
0xba: {  	s0 =	sor.u32 s3, s0;
	s1 =	sshll.u32 s1, $0x11  }
0xbb: {  	s0 =	sor.u32 s1, s0  }
0xbc: {  	s0 =	sadd.s32 $0x8F2B, s0  }
0xbd: {  	[sflag:s0] =	ssyncadd.remote.s32 $0x1  }
0xbe: {  	_ =	sfence.sel $0xFFFF  }
0xbf: {  	[dreg:$0x0] =	wrdreg $0xFFFFFFFF;
	(pc) =	sbr.abs _section_cstart, $3  }
0xc0: {  	[dreg:$0x1] =	wrdreg $0xFFFFFFFF  }
0xc1: {  	_ =	task.clear_ibuf [dreg:s7], $0x2FFFF;
	_ =	strace $0x9FFFFFFF  }
0xc2: {  	(tm) =	ssettm $0x7FFFFFFF  }
0xc3: {  	_ =	shalt  }
tec
execute0_lowered:
.L_overlay_start_1:
0x0: {  	(tag) =	ssettag $0x1  }
0x1: {  	s5 =	rddreg [dreg:$0x0]  }
0x2: {  	s2 =	rddreg [dreg:$0x1];
	s3 =	srdreg.scid  }
0x3: {  	s0 =	rddreg [dreg:$0x2];
	s1 =	stileid.u32  }
0x4: {  	s18 =	simm.s32 $0x3000;
	s19 =	simm.s32 $0x5000;
	s20 =	simm.s32 $0x1  }
0x5: {  	s21 =	simm.s32 $0x3080;
	s22 =	simm.s32 $0x11000;
	s23 =	simm.s32 $0x2  }
0x6: {  	s24 =	simm.s32 $0x0;
	s9 =	sand.u32 $0x1, s3;
	s3 =	simm.s32 $0x0  }
0x7: {  	s4 =	sshll.u32 s1, $0xE;
	s10 =	sadd.s32 $0x400, s5;
	s11 =	sadd.s32 $0x18400, s5  }
0x8: {  	s12 =	sadd.s32 $0x8400, s5;
	s13 =	sadd.s32 $0x10400, s5;
	s15 =	smul.u32 $0xC0000, s1  }
0x9: {  	s6 =	sshll.u32 s9, $0xD;
	[smem:$0x7FF] =	sst s3;
	s29 =	ssub.s32 $0x2, s9  }
0xa: {  	s17 =	smul.u32 $0x60000, s9;
	s6 =	sor.u32 s6, s4;
	_ =	strace $0x80000047  }
0xb: {  	s8 =	sshrl.u32 s29, $0x1;
	s30 =	sadd.s32 s15, s11;
	s15 =	simm.s32 $0x1000  }
0xc: {  	s7 =	smul.u32 $0x30, s6;
	s8 =	ssub.s32 s29, s8;
	s14 =	sshrl.u32 s6, $0x3  }
0xd: {  	s31 =	sadd.s32 s17, s30;
	s17 =	simm.s32 $0x80;
	s6 =	smax.u32 s8, $0x1  }
0xe: {  	s8 =	sadd.s32 s14, s12;
	s16 =	sor.u32 $0x200, s14;
	s9 =	sadd.s32 s14, s13  }
0xf: {  	s4 =	sadd.s32 s11, s7;
	s7 =	sadd.s32 s10, s14;
	s10 =	sadd.s32 s10, s16  }
0x10: {  	s11 =	sadd.s32 s16, s12;
	s12 =	sadd.s32 s16, s13;
	s13 =	sadd.s32 $0x3000, s31  }
0x11: {  	s14 =	simm.s32 $0x3;
	s16 =	simm.s32 $0x2000;
	s5 =	sadd.s32 $0x1800, s4  }
.LBB2_1:
0x12: {  	[tilespmem:s3], [sflag:$0x3] =	stream.linear.gather [hbm4b:s7+s3], $0x1000, $0x38;
	[tilespmem:$0x1D000] =	vst v63  }
0x13: {  	_ =	swait.ge [sflag:s14], $0x1000  }
0x14: {  	[sflag:s14] =	ssyncset.done $0x0  }
0x15: {  	[sflag:s14] =	ssyncadd.s32 $0xFFFFF000  }
0x16: {  	[tilespmem:s15], [sflag:$0x3] =	stream.linear.gather [hbm4b:s8+s3], $0x1000, $0x38;
	[tilespmem:$0x1D000] =	vst v63  }
0x17: {  	_ =	swait.ge [sflag:s14], $0x1000  }
0x18: {  	[sflag:s14] =	ssyncset.done $0x0  }
0x19: {  	[sflag:s14] =	ssyncadd.s32 $0xFFFFF000  }
0x1a: {  	[tilespmem:s16], [sflag:$0x3] =	stream.linear.gather [hbm4b:s9+s3], $0x1000, $0x38;
	[tilespmem:$0x1D000] =	vst v63  }
0x1b: {  	_ =	swait.ge [sflag:s14], $0x1000  }
0x1c: {  	[sflag:s14] =	ssyncset.done $0x0  }
0x1d: {  	s25 =	simm.s32 $0x0;
	[sflag:s14] =	ssyncadd.s32 $0xFFFFF000  }
0x1e: {  	v0 =	vld [tilespmem:s25+$0x0]  }
0x1f: {  	v1 =	vld [tilespmem:s25+$0x1000];
	_ =	sdelay $0x1  }
0x20: {  	v2 =	vld [tilespmem:s25+$0x2000];
	_ =	sdelay $0x2  }
0x21: {  	s31 =	sand.u32 $0xFFFFFE00, s3;
	v0 =	vshll.u32 v0, $0xA;
	v1 =	vshll.u32 v1, $0x5  }
0x22: {  	s26 =	sand.u32 $0x70, s3;
	s25 =	sshra.s32 s31, $0x2;
	v0 =	vadd.s32 v0, v1  }
0x23: {  	s25 =	sor.u32 s26, s25;
	v0 =	vadd.s32 v2, v0  }
0x24: {  	s29 =	simm.s32 $0x10;
	[tilespmem:s25+$0x3000] =	vst v0  }
0x25: {  	s28 =	simm.s32 $0x80;
	s26 =	simm.s32 $0x40;
	s25 =	simm.s32 $0x0;
	v0 =	vld [tilespmem:s29+$0x0]  }
.LBB2_2:
0x26: {  	p0 =	sne.s32 s28, $0x3FC0;
	v1 =	vld [tilespmem:s29+$0x1000];
	_ =	sdelay $0x1  }
0x27: {  	v2 =	vld [tilespmem:s29+$0x2000];
	_ =	sdelay $0x2  }
.Ltmp0:
0x28: {  	s26 =	sand.u32 $0xFFFFFE00, s26;
	s25 =	sadd.s32 $0x10, s25;
	v0 =	vshll.u32 v0, $0xA;
	v1 =	vshll.u32 v1, $0x5;
	(pc) =	sbr.rel @p0 .LBB2_2-.Ltmp0, $4  }
0x29: {  	s30 =	sshra.s32 s26, $0x2;
	s26 =	smov.u32 s28;
	s29 =	sand.u32 $0x70, s25;
	v0 =	vadd.s32 v0, v1  }
0x2a: {  	s30 =	sor.u32 s29, s30;
	v0 =	vadd.s32 v2, v0  }
0x2b: {  	s29 =	sshra.s32 s28, $0x2;
	[tilespmem:s30+$0x3000] =	vst v0  }
0x2c: {  	s28 =	sadd.s32 $0x40, s28;
	v0 =	vld [tilespmem:s29+$0x0]  }
0x2d: {  	v1 =	vld [tilespmem:s29+$0x1000];
	_ =	sdelay $0x1  }
0x2e: {  	v2 =	vld [tilespmem:s29+$0x2000];
	_ =	sdelay $0x2  }
0x2f: {  	s26 =	sand.u32 $0xFFFFFE00, s26;
	s25 =	sadd.s32 $0x10, s25;
	v0 =	vshll.u32 v0, $0xA;
	v1 =	vshll.u32 v1, $0x5  }
0x30: {  	s25 =	sand.u32 $0x70, s25;
	s26 =	sshra.s32 s26, $0x2;
	v0 =	vadd.s32 v0, v1  }
0x31: {  	s25 =	sor.u32 s25, s26;
	v0 =	vadd.s32 v2, v0  }
0x32: {  	[tilespmem:s25+$0x3000] =	vst v0;
	s25 =	simm.s32 $0x0  }
0x33: {  	[tilespmem:s25], [sflag:$0x3] =	stream.linear.gather [hbm4b:s10+s25], $0x1000, $0x38;
	[tilespmem:$0x1D000] =	vst v63  }
0x34: {  	_ =	swait.ge [sflag:s14], $0x1000  }
0x35: {  	[sflag:s14] =	ssyncset.done $0x0  }
0x36: {  	[sflag:s14] =	ssyncadd.s32 $0xFFFFF000  }
0x37: {  	[tilespmem:s15], [sflag:$0x3] =	stream.linear.gather [hbm4b:s11+s25], $0x1000, $0x38;
	[tilespmem:$0x1D000] =	vst v63  }
0x38: {  	_ =	swait.ge [sflag:s14], $0x1000  }
0x39: {  	[sflag:s14] =	ssyncset.done $0x0  }
0x3a: {  	[sflag:s14] =	ssyncadd.s32 $0xFFFFF000  }
0x3b: {  	[tilespmem:s16], [sflag:$0x3] =	stream.linear.gather [hbm4b:s12+s25], $0x1000, $0x38;
	[tilespmem:$0x1D000] =	vst v63  }
0x3c: {  	_ =	swait.ge [sflag:s14], $0x1000  }
0x3d: {  	[sflag:s14] =	ssyncset.done $0x0  }
0x3e: {  	s30 =	simm.s32 $0x0;
	[sflag:s14] =	ssyncadd.s32 $0xFFFFF000  }
0x3f: {  	v0 =	vld [tilespmem:s30+$0x0]  }
0x40: {  	v1 =	vld [tilespmem:s30+$0x1000];
	_ =	sdelay $0x1  }
0x41: {  	v2 =	vld [tilespmem:s30+$0x2000];
	_ =	sdelay $0x2  }
0x42: {  	s31 =	sand.u32 $0xFFFFFE00, s25;
	v0 =	vshll.u32 v0, $0xA;
	v1 =	vshll.u32 v1, $0x5  }
0x43: {  	s28 =	sand.u32 $0x70, s25;
	s26 =	sshra.s32 s31, $0x2;
	v0 =	vadd.s32 v0, v1  }
0x44: {  	s26 =	sor.u32 s28, s26;
	v0 =	vadd.s32 v2, v0  }
0x45: {  	s29 =	simm.s32 $0x10;
	[tilespmem:s26+$0x4000] =	vst v0  }
0x46: {  	s28 =	simm.s32 $0x80;
	s26 =	simm.s32 $0x40;
	v0 =	vld [tilespmem:s29+$0x0]  }
.LBB2_4:
0x47: {  	p0 =	sne.s32 s28, $0x3FC0;
	v1 =	vld [tilespmem:s29+$0x1000];
	_ =	sdelay $0x1  }
0x48: {  	v2 =	vld [tilespmem:s29+$0x2000];
	_ =	sdelay $0x2  }
.Ltmp1:
0x49: {  	s26 =	sand.u32 $0xFFFFFE00, s26;
	s25 =	sadd.s32 $0x10, s25;
	v0 =	vshll.u32 v0, $0xA;
	v1 =	vshll.u32 v1, $0x5;
	(pc) =	sbr.rel @p0 .LBB2_4-.Ltmp1, $4  }
0x4a: {  	s30 =	sshra.s32 s26, $0x2;
	s26 =	smov.u32 s28;
	s29 =	sand.u32 $0x70, s25;
	v0 =	vadd.s32 v0, v1  }
0x4b: {  	s30 =	sor.u32 s29, s30;
	v0 =	vadd.s32 v2, v0  }
0x4c: {  	s29 =	sshra.s32 s28, $0x2;
	[tilespmem:s30+$0x4000] =	vst v0  }
0x4d: {  	s28 =	sadd.s32 $0x40, s28;
	v0 =	vld [tilespmem:s29+$0x0]  }
0x4e: {  	v1 =	vld [tilespmem:s29+$0x1000];
	_ =	sdelay $0x1  }
0x4f: {  	v2 =	vld [tilespmem:s29+$0x2000];
	_ =	sdelay $0x2  }
0x50: {  	s26 =	sand.u32 $0xFFFFFE00, s26;
	s25 =	sadd.s32 $0x10, s25;
	v0 =	vshll.u32 v0, $0xA;
	v1 =	vshll.u32 v1, $0x5  }
0x51: {  	s25 =	sand.u32 $0x70, s25;
	s26 =	sshra.s32 s26, $0x2;
	v0 =	vadd.s32 v0, v1  }
0x52: {  	s25 =	sor.u32 s25, s26;
	v0 =	vadd.s32 v2, v0  }
0x53: {  	[tilespmem:s25+$0x4000] =	vst v0  }
0x54: {  	[tilespmem:s19], [sflag:$0x1] =	stream.indirect.gather [hbm4b:s2+s17], $0x180, s18, s17, $0xb8;
	[tilespmem:$0x1D000] =	vst v63  }
0x55: {  	_ =	swait.ge [sflag:s20], $0xC000  }
0x56: {  	[sflag:s20] =	ssyncset.done $0x0  }
0x57: {  	[sflag:s20] =	ssyncadd.s32 $0xFFFF4000  }
0x58: {  	[hbm4b:s4+s3] =	stream.linear.scatter [tilespmem:s19], [sflag:$0x2], $0xC000, $0x38;
	[tilespmem:$0x1D000] =	vst v63  }
0x59: {  	_ = 	snop  }
0x5a: {  	[tilespmem:s22], [sflag:$0x1] =	stream.indirect.gather [hbm4b:s2+s17], $0x180, s21, s17, $0xb8;
	[tilespmem:$0x1D000] =	vst v63  }
0x5b: {  	_ =	swait.ge [sflag:s20], $0xC000  }
0x5c: {  	[sflag:s20] =	ssyncset.done $0x0  }
0x5d: {  	s26 =	simm.s32 $0x2;
	[sflag:s20] =	ssyncadd.s32 $0xFFFF4000  }
0x5e: {  	[hbm4b:s5+s3] =	stream.linear.scatter [tilespmem:s22], [sflag:$0x2], $0xC000, $0x38;
	[tilespmem:$0x1D000] =	vst v63  }
0x5f: {  	s25 =	sand.u32 $0x1, s26;
	_ =	swait.ge [sflag:s23], $0xC000  }
0x60: {  	s28 =	simm.s32 $0x11000;
	p0 =	seq.s32 s25, $0x1;
	[sflag:s23] =	ssyncset.done $0x0  }
0x61: {  	s31 =	simm.s32 $0x3100;
	s28 =	simm.s32 @!p0 $0x5000;
	[sflag:s23] =	ssyncadd.s32 $0xFFFF4000  }
0x62: {  	[tilespmem:s28], [sflag:$0x1] =	stream.indirect.gather [hbm4b:s2+s17], $0x180, s31, s17, $0xb8;
	[tilespmem:$0x1D000] =	vst v63  }
0x63: {  	_ =	swait.ge [sflag:s20], $0xC000  }
0x64: {  	s29 =	simm.s32 $0x3180;
	s30 =	smov.u32 s13;
	[sflag:s20] =	ssyncset.done $0x0  }
0x65: {  	s26 =	sadd.s32 $0x1800, s13;
	s25 =	simm.s32 $0x3;
	[sflag:s20] =	ssyncadd.s32 $0xFFFF4000  }
.LBB2_6:
0x66: {  	[hbm4b:s30+s3] =	stream.linear.scatter [tilespmem:s28], [sflag:$0x2], $0xC000, $0x38;
	[tilespmem:$0x1D000] =	vst v63  }
0x67: {  	s28 =	sand.u32 $0x1, s25  }
0x68: {  	p0 =	sne.s32 s25, $0x3F;
	s25 =	sadd.s32 $0x1, s25;
	_ =	swait.ge [sflag:s23], $0xC000  }
0x69: {  	p1 =	seq.s32 s28, $0x1;
	s28 =	simm.s32 $0x11000;
	[sflag:s23] =	ssyncset.done $0x0  }
.Ltmp2:
0x6a: {  	s28 =	simm.s32 @!p1 $0x5000;
	[sflag:s23] =	ssyncadd.s32 $0xFFFF4000;
	(pc) =	sbr.rel @p0 .LBB2_6-.Ltmp2, $4  }
0x6b: {  	[tilespmem:s28], [sflag:$0x1] =	stream.indirect.gather [hbm4b:s2+s17], $0x180, s29, s17, $0xb8;
	[tilespmem:$0x1D000] =	vst v63  }
0x6c: {  	s30 =	smov.u32 s26;
	_ =	swait.ge [sflag:s20], $0xC000  }
0x6d: {  	[sflag:s20] =	ssyncset.done $0x0  }
0x6e: {  	s26 =	sadd.s32 $0x1800, s26;
	s29 =	sadd.s32 $0x80, s29;
	[sflag:s20] =	ssyncadd.s32 $0xFFFF4000  }
0x6f: {  	[hbm4b:s30+s3] =	stream.linear.scatter [tilespmem:s28], [sflag:$0x2], $0xC000, $0x38;
	[tilespmem:$0x1D000] =	vst v63  }
0x70: {  	s24 =	sadd.s32 $0x1, s24  }
0x71: {  	_ =	swait.ge [sflag:s23], $0xC000;
	p0 =	sne.s32 s24, s6  }
.Ltmp3:
0x72: {  	[sflag:s23] =	ssyncset.done $0x0;
	(pc) =	sbr.rel @p0 .LBB2_1-.Ltmp3, $4  }
0x73: {  	[sflag:s23] =	ssyncadd.s32 $0xFFFF4000  }
0x74: {  	_ =	swait.ge [sflag:s23], $0xC000  }
0x75: {  	[sflag:s23] =	ssyncset.done $0x0  }
0x76: {  	[sflag:s23] =	ssyncadd.s32 $0xFFFF4000  }
0x77: {  	_ =	sfence.sel $0x180000  }
0x78: {  	[bflag:$0x0] =	sbarrier.arrive $0xFFFF  }
0x79: {  	p0 =	sne.s32 s1, $0x0;
	_ =	strace $0x90000047  }
0x7a: {  	s0 =	sadd.s32 @!p0 $0x100000, s0;
	[bflag:$0x2] =	sbarrier.arrive $0xFFFF  }
0x7b: {  	[sflag:s0] =	ssyncadd.tile.s32 @!p0 $0x1;
	_ =	shalt  }
.Lfunc_end2:
_tile_overlayer_lowered:
.L_overlay_start_2:
0x7c: {  	(tag) =	ssettag $0x2  }
0x7d: {  	s0 =	rddreg [dreg:$0x0];
	s2 =	stileid.u32  }
0x7e: {  	s1 =	rddreg [dreg:$0x1];
	p0 =	sne.s32 s2, $0x0  }
0x7f: {  	s3 =	rddreg [dreg:$0x2];
	[bflag:$0x3] =	sbarrier.arrive $0xFFFF;
	s2 =	simm.s32 @!p0 $0x1C03  }
0x80: {  	[timem:s3], [sflag:s2] =	dma.local @!p0 [hbm:s0], s1  }
0x81: {  	s0 =	simm.s32 @!p0 $0x3  }
0x82: {  	_ =	swait.ge @!p0 [sflag:s0], s1  }
0x83: {  	s1 =	ssub.s32 @!p0 $0x0, s1;
	[sflag:s0] =	ssyncset.done @!p0 $0x0  }
0x84: {  	[sflag:s0] =	ssyncadd.s32 @!p0 s1  }
0x85: {  	[bflag:$0x3] =	sbarrier.arrive $0xFFFF  }
0x86: {  	_ =	shalt  }

</sc_bundles>
